<compile_context>
chip_gen: v7x
topology: tpu7x:2x2x1
jax: 0.10.2.dev20260603
libtpu: 0.0.44.dev20260713+nightly
codegen_flags: <defaults>
</compile_context>

<pallas_src>
import functools

import jax
import jax.numpy as jnp
from jax import lax
from jax.experimental import pallas as pl
from jax.experimental.pallas import tpu as pltpu
from jax.experimental.pallas import tpu_sc as plsc

_N_EMB = 1024
_DIM = 64
_B = 16384
_BLK = 2048
_GRID = _B // _BLK
_COMMIT = 0.25
_DIVERGE = 0.1

_INFO = plsc.get_sparse_core_info()
_NC = _INFO.num_cores
_NS = _INFO.num_subcores
_NW = _NC * _NS
_RPW = _B // _NW
_CHUNK = 32
_NCHUNK = _RPW // _CHUNK



def _sc_body(lab_hbm, w_hbm, x_hbm,
             quant_hbm, qpar_hbm,
             lab_v, rows_v, x_v, qv_v, sem):
    wid = lax.axis_index("s") * _NC + lax.axis_index("c")
    base = wid * _RPW

    pltpu.sync_copy(lab_hbm.at[pl.ds(base, _RPW)], lab_v)
    pltpu.async_copy(w_hbm.at[lab_v], rows_v, sem).wait()
    pltpu.sync_copy(rows_v, quant_hbm.at[pl.ds(base, _RPW)])

    pltpu.sync_copy(x_hbm.at[pl.ds(base, _RPW)], x_v)

    def _qstep(r, acc):
        for c in range(_DIM // 16):
            d = rows_v[r, pl.ds(c * 16, 16)] - x_v[r, pl.ds(c * 16, 16)]
            acc = acc + d * d
        return acc

    qacc = lax.fori_loop(0, _RPW, _qstep, jnp.zeros((16,), jnp.float32))
    qv_v[...] = qacc
    pltpu.sync_copy(qv_v, qpar_hbm.at[wid])


_sc_call = functools.partial(
    pl.kernel,
    mesh=plsc.VectorSubcoreMesh(core_axis_name="c", subcore_axis_name="s"),
    compiler_params=pltpu.CompilerParams(use_tc_tiling_on_sc=False),
    out_type=[
        jax.ShapeDtypeStruct((_B, _DIM), jnp.float32),
        jax.ShapeDtypeStruct((_NW, 16), jnp.float32),
    ],
    scratch_types=[
        pltpu.VMEM((_RPW,), jnp.int32),
        pltpu.VMEM((_RPW, _DIM), jnp.float32),
        pltpu.VMEM((_RPW, _DIM), jnp.float32),
        pltpu.VMEM((16,), jnp.float32),
        pltpu.SemaphoreType.DMA,
    ],
)(_sc_body)



def _tc_body(x_ref, lab_ref, w_ref, xsum_ref, cnt_out_ref, enc_ref, acc_ref, cnt_ref, xa_ref, wa_ref, col_ref):
    i = pl.program_id(0)

    @pl.when(i == 0)
    def _init():
        acc_ref[0] = 0.0
        cnt_ref[...] = jnp.zeros_like(cnt_ref)
        w = w_ref[...]
        w2col = jnp.sum(w * w, axis=1, keepdims=True)
        lane_w = lax.broadcasted_iota(jnp.int32, (_N_EMB, _DIM), 1)
        wa_ref[:, 0:_DIM] = (-2.0 * w).astype(jnp.bfloat16)
        wa_ref[:, _DIM:2 * _DIM] = jnp.where(lane_w == 0, w2col, 0.0).astype(jnp.bfloat16)
        lane_x = lax.broadcasted_iota(jnp.int32, (_BLK, _DIM), 1)
        xa_ref[:, _DIM:2 * _DIM] = jnp.where(lane_x == 0, 1.0, 0.0).astype(jnp.bfloat16)
        col_ref[...] = lax.broadcasted_iota(jnp.int32, (_BLK, _N_EMB), 1)

    x = x_ref[...]
    lab = lab_ref[...]
    xa_ref[:, 0:_DIM] = x.astype(jnp.bfloat16)

    nox = lax.dot_general(xa_ref[...], wa_ref[...], (((1,), (1,)), ((), ())),
                          preferred_element_type=jnp.float32)

    b = lax.bitcast_convert_type(nox, jnp.int32)
    keyf = lax.bitcast_convert_type((b & ~1023) | col_ref[...], jnp.float32)
    kminf = jnp.min(keyf, axis=1, keepdims=True)
    kmin = lax.bitcast_convert_type(kminf, jnp.int32)
    amin = kmin & 1023
    dmin = lax.bitcast_convert_type(kmin & ~1023, jnp.float32)
    ind = (amin != lab).astype(jnp.float32)
    x2 = jnp.sum(x * x, axis=1, keepdims=True)
    acc_ref[0] += jnp.sum(ind * (x2 + dmin))

    enc = jnp.where(col_ref[...] == lab, 1.0, 0.0)
    enc_ref[...] = enc
    enc_bf = enc.astype(jnp.bfloat16)
    ones_b = jnp.ones((1, _BLK), jnp.bfloat16)
    cnt_ref[...] += lax.dot_general(ones_b, enc_bf, (((1,), (0,)), ((), ())),
                                    preferred_element_type=jnp.float32)

    @pl.when(i == _GRID - 1)
    def _fini():
        xsum_ref[...] = jnp.full((8, 128), acc_ref[0], jnp.float32)
        cnt_out_ref[...] = cnt_ref[...]



def _fin_body(xsum_ref, qpar_ref, cnt_ref, loss_ref, perp_ref):
    q_sum = jnp.sum(qpar_ref[...])
    x_sum = jnp.max(xsum_ref[...])
    denom = float(_B * _DIM)
    loss = ((1.0 + _COMMIT) * q_sum - (1.0 + _DIVERGE) * x_sum) / denom
    loss_ref[...] = jnp.full((8, 128), loss, jnp.float32)
    probs = cnt_ref[...] / float(_B)
    ent = -jnp.sum(probs * jnp.log(probs + 1e-10))
    perp_ref[...] = jnp.full((8, 128), jnp.exp(ent), jnp.float32)


def kernel(inputs, label, weight):
    lab1d = label.astype(jnp.int32)
    lab2d = lab1d.reshape(_B, 1)
    quant, qpar = _sc_call(lab1d, weight, inputs)

    xsum, cnt, enc = pl.pallas_call(
        _tc_body,
        grid=(_GRID,),
        in_specs=[
            pl.BlockSpec((_BLK, _DIM), lambda i: (i, 0)),
            pl.BlockSpec((_BLK, 1), lambda i: (i, 0)),
            pl.BlockSpec((_N_EMB, _DIM), lambda i: (0, 0)),
        ],
        out_specs=[
            pl.BlockSpec((8, 128), lambda i: (0, 0)),
            pl.BlockSpec((1, _N_EMB), lambda i: (0, 0)),
            pl.BlockSpec((_BLK, _N_EMB), lambda i: (i, 0)),
        ],
        out_shape=[
            jax.ShapeDtypeStruct((8, 128), jnp.float32),
            jax.ShapeDtypeStruct((1, _N_EMB), jnp.float32),
            jax.ShapeDtypeStruct((_B, _N_EMB), jnp.float32),
        ],
        scratch_shapes=[
            pltpu.SMEM((2,), jnp.float32),
            pltpu.VMEM((1, _N_EMB), jnp.float32),
            pltpu.VMEM((_BLK, 2 * _DIM), jnp.bfloat16),
            pltpu.VMEM((_N_EMB, 2 * _DIM), jnp.bfloat16),
            pltpu.VMEM((_BLK, _N_EMB), jnp.int32),
        ],
        compiler_params=pltpu.CompilerParams(
            dimension_semantics=("arbitrary",),
        ),
    )(inputs, lab2d, weight)

    loss_a, perp_a = pl.pallas_call(
        _fin_body,
        out_shape=[
            jax.ShapeDtypeStruct((8, 128), jnp.float32),
            jax.ShapeDtypeStruct((8, 128), jnp.float32),
        ],
    )(xsum, qpar, cnt)

    return loss_a[0, 0], quant, perp_a[0, 0], enc

# --- scband reference (transcript-rebuilt; emitter-appended) ---
"""Pipeline reference for scband-vector-quantizer-17841294148021 (READ-ONLY COPY).

The authoritative reference and input builder live on the scoring server;
editing this copy changes nothing except your own understanding.
"""

import jax, jax.numpy as jnp
import numpy as np

NUM_EMBEDDINGS = 1024
EMBEDDING_DIM = 64
BATCH = 16384
COMMITMENT_COST = 0.25
DIVERGENCE_COST = 0.1


def setup_inputs(seed: int = 0) -> dict:
    key = jax.random.key(seed)
    k1, k2, k3 = jax.random.split(key, 3)
    inputs = jax.random.normal(k1, (BATCH, EMBEDDING_DIM), dtype=jnp.float32)
    label = jax.random.randint(k2, (BATCH,), 0, NUM_EMBEDDINGS, dtype=jnp.int64 if jax.config.jax_enable_x64 else jnp.int32).astype(jnp.int32)
    weight = jax.random.uniform(k3, (NUM_EMBEDDINGS, EMBEDDING_DIM), dtype=jnp.float32,
                                minval=-1.0 / NUM_EMBEDDINGS, maxval=1.0 / NUM_EMBEDDINGS)
    return {"inputs": inputs, "label": label, "weight": weight}


def reference(inputs, label, weight):
    num_embeddings = weight.shape[0]
    B = inputs.shape[0]

    distances = (jnp.sum(inputs ** 2, axis=1, keepdims=True)
                 + jnp.sum(weight ** 2, axis=1)
                 - 2.0 * jnp.matmul(inputs, weight.T))

    encoding_indices = jnp.reshape(label, (B, 1))
    encodings = jnp.zeros((B, num_embeddings), dtype=jnp.float32).at[
        jnp.arange(B), encoding_indices[:, 0]].set(1.0)

    close_indices = jnp.argmin(distances, axis=1)[:, None]
    close_encodings = jnp.zeros((B, num_embeddings), dtype=jnp.float32).at[
        jnp.arange(B), close_indices[:, 0]].set(1.0)

    indicator = (encoding_indices != close_indices).astype(jnp.float32)

    quantized = jnp.matmul(encodings, weight)
    close_quantized = jnp.matmul(close_encodings, weight)

    q_latent_loss = jnp.mean((quantized - jax.lax.stop_gradient(inputs)) ** 2)
    e_latent_loss = jnp.mean((jax.lax.stop_gradient(quantized) - inputs) ** 2)
    x_latent_loss = jnp.mean(indicator * (close_quantized - jax.lax.stop_gradient(inputs)) ** 2)
    d_latent_loss = jnp.mean(indicator * (jax.lax.stop_gradient(close_quantized) - inputs) ** 2)

    loss = (q_latent_loss + COMMITMENT_COST * e_latent_loss
            - x_latent_loss - DIVERGENCE_COST * d_latent_loss)

    quantized_st = inputs + jax.lax.stop_gradient(quantized - inputs)

    avg_probs = jnp.mean(encodings, axis=0)
    perplexity = jnp.exp(-jnp.sum(avg_probs * jnp.log(avg_probs + 1e-10)))

    return (loss, quantized_st, perplexity, encodings)

if __name__ == "__main__":
    import jax
    _d = setup_inputs()
    print(jax.jit(kernel)(*tuple(_d.values())))

</pallas_src>

<mosaic_0001>
#map = affine_map<(d0, d1) -> (0)>
#map1 = affine_map<(d0, d1) -> (0, 0)>
module attributes {stable_mosaic.version = 14 : i64} {
  func.func @_sc_body(%arg0: i32, %arg1: i32, %arg2: memref<16384xi32, #tpu.memory_space<hbm>>, %arg3: memref<1024x64xf32, #tpu.memory_space<hbm>>, %arg4: memref<16384x64xf32, #tpu.memory_space<hbm>>, %arg5: memref<16384x64xf32, #tpu.memory_space<hbm>>, %arg6: memref<32x16xf32, #tpu.memory_space<hbm>>, %arg7: memref<512xi32, #tpu.memory_space<vmem>>, %arg8: memref<512x64xf32, #tpu.memory_space<vmem>>, %arg9: memref<512x64xf32, #tpu.memory_space<vmem>>, %arg10: memref<16xf32, #tpu.memory_space<vmem>>, %arg11: memref<!tpu.dma_semaphore, #tpu.memory_space<semaphore_mem>>) attributes {dimension_semantics = [#tpu.dimension_semantics<core_parallel>, #tpu.dimension_semantics<subcore_parallel>], iteration_bounds = array<i64: 2, 16>, scalar_prefetch = 0 : i64, scratch_operands = 5 : i64, tpu.core_type = #tpu.core_type<sc_vector_subcore>, window_params = [{transform_indices = #map}, {transform_indices = #map1}, {transform_indices = #map1}, {transform_indices = #map1}, {transform_indices = #map1}]} {
    %mul3A = arith.constant 2 : i32
    %mul3A_0 = arith.muli %arg1, %mul3A : i32
    %add3A = arith.addi %mul3A_0, %arg0 : i32
    %mul3A_1 = arith.constant 512 : i32
    %mul3A_2 = arith.muli %add3A, %mul3A_1 : i32
    "tpu.region"() ({
      %run_scoped3A = tpu.sem_alloc : memref<!tpu.dma_semaphore, #tpu.memory_space<semaphore_mem>>
      %dma_start3A_16 = tpu.memref_slice %arg2[%mul3A_2] : memref<16384xi32, #tpu.memory_space<hbm>> -> memref<512xi32, #tpu.memory_space<hbm>>
      %dma_start3A_17 = tpu.memref_slice %arg2[%mul3A_2] : memref<16384xi32, #tpu.memory_space<hbm>> -> memref<512xi32, #tpu.memory_space<hbm>>
      tpu.enqueue_dma source(%dma_start3A_17 : memref<512xi32, #tpu.memory_space<hbm>>) target(%arg7 : memref<512xi32, #tpu.memory_space<vmem>>) target_semaphore(%run_scoped3A : memref<!tpu.dma_semaphore, #tpu.memory_space<semaphore_mem>>)
      %dma_wait3A_18 = tpu.memref_slice %arg2[%mul3A_2] : memref<16384xi32, #tpu.memory_space<hbm>> -> memref<512xi32, #tpu.memory_space<hbm>>
      %dma_wait3A_19 = tpu.memref_slice %arg2[%mul3A_2] : memref<16384xi32, #tpu.memory_space<hbm>> -> memref<512xi32, #tpu.memory_space<hbm>>
      tpu.wait_dma2 semaphore(%run_scoped3A : memref<!tpu.dma_semaphore, #tpu.memory_space<semaphore_mem>>) src(%dma_wait3A_19 : memref<512xi32, #tpu.memory_space<hbm>>) dst(%arg7 : memref<512xi32, #tpu.memory_space<vmem>>)
      tpu.yield
    }) : () -> ()
    %dma_start3A = arith.constant 0 : i32
    %dma_start3A_3 = arith.constant 0 : i32
    %dma_start3A_4 = tpu.memref_slice %arg3[%dma_start3A, %dma_start3A_3] : memref<1024x64xf32, #tpu.memory_space<hbm>> -> memref<1024x64xf32, #tpu.memory_space<hbm>>
    tpu.enqueue_indirect_dma source(%dma_start3A_4 : memref<1024x64xf32, #tpu.memory_space<hbm>>) target(%arg8 : memref<512x64xf32, #tpu.memory_space<vmem>>) offsets(%arg7 : memref<512xi32, #tpu.memory_space<vmem>>) semaphore(%arg11 : memref<!tpu.dma_semaphore, #tpu.memory_space<semaphore_mem>>)
    %dma_wait3A = arith.constant 0 : i32
    %dma_wait3A_5 = arith.constant 0 : i32
    %dma_wait3A_6 = tpu.memref_slice %arg3[%dma_wait3A, %dma_wait3A_5] : memref<1024x64xf32, #tpu.memory_space<hbm>> -> memref<1024x64xf32, #tpu.memory_space<hbm>>
    tpu.wait_indirect_dma semaphore(%arg11 : memref<!tpu.dma_semaphore, #tpu.memory_space<semaphore_mem>>) src(%dma_wait3A_6 : memref<1024x64xf32, #tpu.memory_space<hbm>>) dst(%arg8 : memref<512x64xf32, #tpu.memory_space<vmem>>)
    "tpu.region"() ({
      %run_scoped3A = tpu.sem_alloc : memref<!tpu.dma_semaphore, #tpu.memory_space<semaphore_mem>>
      %dma_start3A_16 = arith.constant 0 : i32
      %dma_start3A_17 = tpu.memref_slice %arg5[%mul3A_2, %dma_start3A_16] : memref<16384x64xf32, #tpu.memory_space<hbm>> -> memref<512x64xf32, #tpu.memory_space<hbm>>
      %dma_start3A_18 = arith.constant 0 : i32
      %dma_start3A_19 = tpu.memref_slice %arg5[%mul3A_2, %dma_start3A_18] : memref<16384x64xf32, #tpu.memory_space<hbm>> -> memref<512x64xf32, #tpu.memory_space<hbm>>
      tpu.enqueue_dma source(%arg8 : memref<512x64xf32, #tpu.memory_space<vmem>>) target(%dma_start3A_19 : memref<512x64xf32, #tpu.memory_space<hbm>>) target_semaphore(%run_scoped3A : memref<!tpu.dma_semaphore, #tpu.memory_space<semaphore_mem>>)
      %dma_wait3A_20 = arith.constant 0 : i32
      %dma_wait3A_21 = tpu.memref_slice %arg5[%mul3A_2, %dma_wait3A_20] : memref<16384x64xf32, #tpu.memory_space<hbm>> -> memref<512x64xf32, #tpu.memory_space<hbm>>
      %dma_wait3A_22 = arith.constant 0 : i32
      %dma_wait3A_23 = tpu.memref_slice %arg5[%mul3A_2, %dma_wait3A_22] : memref<16384x64xf32, #tpu.memory_space<hbm>> -> memref<512x64xf32, #tpu.memory_space<hbm>>
      tpu.wait_dma2 semaphore(%run_scoped3A : memref<!tpu.dma_semaphore, #tpu.memory_space<semaphore_mem>>) src(%arg8 : memref<512x64xf32, #tpu.memory_space<vmem>>) dst(%dma_wait3A_23 : memref<512x64xf32, #tpu.memory_space<hbm>>)
      tpu.yield
    }) : () -> ()
    "tpu.region"() ({
      %run_scoped3A = tpu.sem_alloc : memref<!tpu.dma_semaphore, #tpu.memory_space<semaphore_mem>>
      %dma_start3A_16 = arith.constant 0 : i32
      %dma_start3A_17 = tpu.memref_slice %arg4[%mul3A_2, %dma_start3A_16] : memref<16384x64xf32, #tpu.memory_space<hbm>> -> memref<512x64xf32, #tpu.memory_space<hbm>>
      %dma_start3A_18 = arith.constant 0 : i32
      %dma_start3A_19 = tpu.memref_slice %arg4[%mul3A_2, %dma_start3A_18] : memref<16384x64xf32, #tpu.memory_space<hbm>> -> memref<512x64xf32, #tpu.memory_space<hbm>>
      tpu.enqueue_dma source(%dma_start3A_19 : memref<512x64xf32, #tpu.memory_space<hbm>>) target(%arg9 : memref<512x64xf32, #tpu.memory_space<vmem>>) target_semaphore(%run_scoped3A : memref<!tpu.dma_semaphore, #tpu.memory_space<semaphore_mem>>)
      %dma_wait3A_20 = arith.constant 0 : i32
      %dma_wait3A_21 = tpu.memref_slice %arg4[%mul3A_2, %dma_wait3A_20] : memref<16384x64xf32, #tpu.memory_space<hbm>> -> memref<512x64xf32, #tpu.memory_space<hbm>>
      %dma_wait3A_22 = arith.constant 0 : i32
      %dma_wait3A_23 = tpu.memref_slice %arg4[%mul3A_2, %dma_wait3A_22] : memref<16384x64xf32, #tpu.memory_space<hbm>> -> memref<512x64xf32, #tpu.memory_space<hbm>>
      tpu.wait_dma2 semaphore(%run_scoped3A : memref<!tpu.dma_semaphore, #tpu.memory_space<semaphore_mem>>) src(%dma_wait3A_23 : memref<512x64xf32, #tpu.memory_space<hbm>>) dst(%arg9 : memref<512x64xf32, #tpu.memory_space<vmem>>)
      tpu.yield
    }) : () -> ()
    %broadcast_in_dim3A = arith.constant 0.000000e+00 : f32
    %broadcast_in_dim3A_7 = vector.broadcast %broadcast_in_dim3A : f32 to vector<16xf32>
    %scan3A = arith.constant 0 : i32
    %scan3A_8 = arith.constant 512 : i32
    %scan3A_9 = arith.addi %scan3A, %scan3A_8 : i32
    %scan3A_10 = arith.constant 1 : i32
    %scan3A_11 = scf.for %scan3A_16 = %scan3A to %scan3A_9 step %scan3A_10 iter_args(%scan3A_17 = %broadcast_in_dim3A_7) -> (vector<16xf32>)  : i32 {
      %get3A = arith.index_cast %scan3A_16 : i32 to index
      %get3A_18 = arith.constant 0 : index
      %get3A_19 = tpu.vector_load %arg8[%get3A, %get3A_18] {strides = array<i32>} : memref<512x64xf32, #tpu.memory_space<vmem>>, vector<1x16xf32>,
      %get3A_20 = vector.shape_cast %get3A_19 : vector<1x16xf32> to vector<16xf32>
      %get3A_21 = arith.index_cast %scan3A_16 : i32 to index
      %get3A_22 = arith.constant 0 : index
      %get3A_23 = tpu.vector_load %arg9[%get3A_21, %get3A_22] {strides = array<i32>} : memref<512x64xf32, #tpu.memory_space<vmem>>, vector<1x16xf32>,
      %get3A_24 = vector.shape_cast %get3A_23 : vector<1x16xf32> to vector<16xf32>
      %sub3A = arith.subf %get3A_20, %get3A_24 : vector<16xf32>
      %mul3A_25 = arith.mulf %sub3A, %sub3A : vector<16xf32>
      %add3A_26 = arith.addf %scan3A_17, %mul3A_25 : vector<16xf32>
      %get3A_27 = arith.index_cast %scan3A_16 : i32 to index
      %get3A_28 = arith.constant 16 : index
      %get3A_29 = tpu.vector_load %arg8[%get3A_27, %get3A_28] {strides = array<i32>} : memref<512x64xf32, #tpu.memory_space<vmem>>, vector<1x16xf32>,
      %get3A_30 = vector.shape_cast %get3A_29 : vector<1x16xf32> to vector<16xf32>
      %get3A_31 = arith.index_cast %scan3A_16 : i32 to index
      %get3A_32 = arith.constant 16 : index
      %get3A_33 = tpu.vector_load %arg9[%get3A_31, %get3A_32] {strides = array<i32>} : memref<512x64xf32, #tpu.memory_space<vmem>>, vector<1x16xf32>,
      %get3A_34 = vector.shape_cast %get3A_33 : vector<1x16xf32> to vector<16xf32>
      %sub3A_35 = arith.subf %get3A_30, %get3A_34 : vector<16xf32>
      %mul3A_36 = arith.mulf %sub3A_35, %sub3A_35 : vector<16xf32>
      %add3A_37 = arith.addf %add3A_26, %mul3A_36 : vector<16xf32>
      %get3A_38 = arith.index_cast %scan3A_16 : i32 to index
      %get3A_39 = arith.constant 32 : index
      %get3A_40 = tpu.vector_load %arg8[%get3A_38, %get3A_39] {strides = array<i32>} : memref<512x64xf32, #tpu.memory_space<vmem>>, vector<1x16xf32>,
      %get3A_41 = vector.shape_cast %get3A_40 : vector<1x16xf32> to vector<16xf32>
      %get3A_42 = arith.index_cast %scan3A_16 : i32 to index
      %get3A_43 = arith.constant 32 : index
      %get3A_44 = tpu.vector_load %arg9[%get3A_42, %get3A_43] {strides = array<i32>} : memref<512x64xf32, #tpu.memory_space<vmem>>, vector<1x16xf32>,
      %get3A_45 = vector.shape_cast %get3A_44 : vector<1x16xf32> to vector<16xf32>
      %sub3A_46 = arith.subf %get3A_41, %get3A_45 : vector<16xf32>
      %mul3A_47 = arith.mulf %sub3A_46, %sub3A_46 : vector<16xf32>
      %add3A_48 = arith.addf %add3A_37, %mul3A_47 : vector<16xf32>
      %get3A_49 = arith.index_cast %scan3A_16 : i32 to index
      %get3A_50 = arith.constant 48 : index
      %get3A_51 = tpu.vector_load %arg8[%get3A_49, %get3A_50] {strides = array<i32>} : memref<512x64xf32, #tpu.memory_space<vmem>>, vector<1x16xf32>,
      %get3A_52 = vector.shape_cast %get3A_51 : vector<1x16xf32> to vector<16xf32>
      %get3A_53 = arith.index_cast %scan3A_16 : i32 to index
      %get3A_54 = arith.constant 48 : index
      %get3A_55 = tpu.vector_load %arg9[%get3A_53, %get3A_54] {strides = array<i32>} : memref<512x64xf32, #tpu.memory_space<vmem>>, vector<1x16xf32>,
      %get3A_56 = vector.shape_cast %get3A_55 : vector<1x16xf32> to vector<16xf32>
      %sub3A_57 = arith.subf %get3A_52, %get3A_56 : vector<16xf32>
      %mul3A_58 = arith.mulf %sub3A_57, %sub3A_57 : vector<16xf32>
      %add3A_59 = arith.addf %add3A_48, %mul3A_58 : vector<16xf32>
      scf.yield %add3A_59 : vector<16xf32>
    }
    %scan3A_12 = arith.constant 512 : i32
    %swap3A = arith.constant 0 : index
    %swap3A_13 = tpu.vector_load %arg10[%swap3A] {strides = array<i32>} : memref<16xf32, #tpu.memory_space<vmem>>, vector<16xf32>,
    %swap3A_14 = vector.shape_cast %swap3A_13 : vector<16xf32> to vector<16xf32>
    %swap3A_15 = vector.shape_cast %scan3A_11 : vector<16xf32> to vector<16xf32>
    tpu.vector_store %arg10[%swap3A], %swap3A_15 {strides = array<i32>} : memref<16xf32, #tpu.memory_space<vmem>>, vector<16xf32>,
    "tpu.region"() ({
      %run_scoped3A = tpu.sem_alloc : memref<!tpu.dma_semaphore, #tpu.memory_space<semaphore_mem>>
      %dma_start3A_16 = arith.constant 0 : i32
      %dma_start3A_17 = tpu.memref_slice %arg6[%add3A, %dma_start3A_16] : memref<32x16xf32, #tpu.memory_space<hbm>> -> memref<1x16xf32, #tpu.memory_space<hbm>>
      %dma_start3A_18 = tpu.memref_squeeze %dma_start3A_17 : memref<1x16xf32, #tpu.memory_space<hbm>> -> memref<16xf32, #tpu.memory_space<hbm>>
      %dma_start3A_19 = arith.constant 0 : i32
      %dma_start3A_20 = tpu.memref_slice %arg6[%add3A, %dma_start3A_19] : memref<32x16xf32, #tpu.memory_space<hbm>> -> memref<1x16xf32, #tpu.memory_space<hbm>>
      %dma_start3A_21 = tpu.memref_squeeze %dma_start3A_20 : memref<1x16xf32, #tpu.memory_space<hbm>> -> memref<16xf32, #tpu.memory_space<hbm>>
      tpu.enqueue_dma source(%arg10 : memref<16xf32, #tpu.memory_space<vmem>>) target(%dma_start3A_21 : memref<16xf32, #tpu.memory_space<hbm>>) target_semaphore(%run_scoped3A : memref<!tpu.dma_semaphore, #tpu.memory_space<semaphore_mem>>)
      %dma_wait3A_22 = arith.constant 0 : i32
      %dma_wait3A_23 = tpu.memref_slice %arg6[%add3A, %dma_wait3A_22] : memref<32x16xf32, #tpu.memory_space<hbm>> -> memref<1x16xf32, #tpu.memory_space<hbm>>
      %dma_wait3A_24 = tpu.memref_squeeze %dma_wait3A_23 : memref<1x16xf32, #tpu.memory_space<hbm>> -> memref<16xf32, #tpu.memory_space<hbm>>
      %dma_wait3A_25 = arith.constant 0 : i32
      %dma_wait3A_26 = tpu.memref_slice %arg6[%add3A, %dma_wait3A_25] : memref<32x16xf32, #tpu.memory_space<hbm>> -> memref<1x16xf32, #tpu.memory_space<hbm>>
      %dma_wait3A_27 = tpu.memref_squeeze %dma_wait3A_26 : memref<1x16xf32, #tpu.memory_space<hbm>> -> memref<16xf32, #tpu.memory_space<hbm>>
      tpu.wait_dma2 semaphore(%run_scoped3A : memref<!tpu.dma_semaphore, #tpu.memory_space<semaphore_mem>>) src(%arg10 : memref<16xf32, #tpu.memory_space<vmem>>) dst(%dma_wait3A_27 : memref<16xf32, #tpu.memory_space<hbm>>)
      tpu.yield
    }) : () -> ()
    return
  }
}

module attributes {stable_mosaic.version = 14 : i64} {
  func.func @_tc_body(%arg0: i32, %arg1: memref<2048x64xf32, #tpu.memory_space<vmem>>, %arg2: memref<2048x1xi32, #tpu.memory_space<vmem>>, %arg3: memref<1024x64xf32, #tpu.memory_space<vmem>>, %arg4: memref<8x128xf32, #tpu.memory_space<vmem>>, %arg5: memref<1x1024xf32, #tpu.memory_space<vmem>>, %arg6: memref<2048x1024xf32, #tpu.memory_space<vmem>>, %arg7: memref<2xf32, #tpu.memory_space<smem>>, %arg8: memref<1x1024xf32, #tpu.memory_space<vmem>>, %arg9: memref<2048x128xbf16, #tpu.memory_space<vmem>>, %arg10: memref<1024x128xbf16, #tpu.memory_space<vmem>>, %arg11: memref<2048x1024xi32, #tpu.memory_space<vmem>>) attributes {dimension_semantics = [#tpu.dimension_semantics<arbitrary>], iteration_bounds = array<i64: 8>, scalar_prefetch = 0 : i64, scratch_operands = 5 : i64, tpu.core_type = #tpu.core_type<tc>, window_params = [{transform_indices = @transform_0, window_bounds = array<i64: 2048, 64>}, {transform_indices = @transform_1, window_bounds = array<i64: 2048, 1>}, {pipeline_mode = #tpu.pipeline_mode<synchronous>, transform_indices = @transform_2, window_bounds = array<i64: 1024, 64>}, {pipeline_mode = #tpu.pipeline_mode<synchronous>, transform_indices = @transform_3, window_bounds = array<i64: 8, 128>}, {pipeline_mode = #tpu.pipeline_mode<synchronous>, transform_indices = @transform_4, window_bounds = array<i64: 1, 1024>}, {transform_indices = @transform_5, window_bounds = array<i64: 2048, 1024>}]} {
    %eq3A = arith.constant 0 : i32
    %eq3A_0 = arith.cmpi eq, %arg0, %eq3A : i32
    %convert_element_type3A = arith.extui %eq3A_0 : i1 to i32
    %cond3A = arith.constant 0 : i32
    %cond3A_1 = arith.cmpi ne, %convert_element_type3A, %cond3A : i32
    scf.if %cond3A_1 {
      %swap3A_75 = arith.constant 0.000000e+00 : f32
      %swap3A_76 = arith.constant 0 : index
      %swap3A_77 = memref.load %arg7[%swap3A_76] : memref<2xf32, #tpu.memory_space<smem>>
      memref.store %swap3A_75, %arg7[%swap3A_76] : memref<2xf32, #tpu.memory_space<smem>>
      %broadcast_in_dim3A_78 = arith.constant 0.000000e+00 : f32
      %broadcast_in_dim3A_79 = vector.broadcast %broadcast_in_dim3A_78 : f32 to vector<1x1024xf32>
      %swap3A_80 = arith.constant 0 : index
      %swap3A_81 = arith.constant 0 : index
      %swap3A_82 = vector.load %arg8[%swap3A_80, %swap3A_81] : memref<1x1024xf32, #tpu.memory_space<vmem>>, vector<1x1024xf32>
      tpu.vector_store %arg8[%swap3A_80, %swap3A_81], %broadcast_in_dim3A_79 {strides = array<i32>} : memref<1x1024xf32, #tpu.memory_space<vmem>>, vector<1x1024xf32>,
      %get3A_83 = arith.constant 0 : index
      %get3A_84 = arith.constant 0 : index
      %get3A_85 = vector.load %arg3[%get3A_83, %get3A_84] : memref<1024x64xf32, #tpu.memory_space<vmem>>, vector<1024x64xf32>
      %mul3A_86 = arith.mulf %get3A_85, %get3A_85 : vector<1024x64xf32>
      %reduce_sum3A_87 = arith.constant dense<0.000000e+00> : vector<1024xf32>
      %reduce_sum3A_88 = vector.multi_reduction <add>, %mul3A_86, %reduce_sum3A_87 [1] : vector<1024x64xf32> to vector<1024xf32>
      %broadcast_in_dim3A_89 = vector.shape_cast %reduce_sum3A_88 : vector<1024xf32> to vector<1024x1xf32>
      %iota3A = tpu.iota {dimensions = array<i32: 1>} : vector<1024x64xi32>
      %mul3A_90 = arith.constant -2.000000e+00 : f32
      %mul3A_91 = vector.broadcast %mul3A_90 : f32 to vector<1024x64xf32>
      %mul3A_92 = arith.mulf %mul3A_91, %get3A_85 : vector<1024x64xf32>
      %convert_element_type3A_93 = arith.truncf %mul3A_92 : vector<1024x64xf32> to vector<1024x64xbf16>
      %swap3A_94 = arith.constant 0 : index
      %swap3A_95 = arith.constant 0 : index
      %swap3A_96 = vector.load %arg10[%swap3A_94, %swap3A_95] : memref<1024x128xbf16, #tpu.memory_space<vmem>>, vector<1024x64xbf16>
      tpu.vector_store %arg10[%swap3A_94, %swap3A_95], %convert_element_type3A_93 {strides = array<i32>} : memref<1024x128xbf16, #tpu.memory_space<vmem>>, vector<1024x64xbf16>,
      %eq3A_97 = arith.constant 0 : i32
      %eq3A_98 = vector.broadcast %eq3A_97 : i32 to vector<1024x64xi32>
      %eq3A_99 = arith.cmpi eq, %iota3A, %eq3A_98 : vector<1024x64xi32>
      %jit3A_100 = arith.constant 0.000000e+00 : f32
      %broadcast_in_dim3A_101 = vector.shape_cast %broadcast_in_dim3A_89 : vector<1024x1xf32> to vector<1024x1xf32>
      %broadcast_in_dim3A_102 = vector.broadcast %broadcast_in_dim3A_101 : vector<1024x1xf32> to vector<1024x64xf32>
      %broadcast_in_dim3A_103 = vector.broadcast %jit3A_100 : f32 to vector<1024x64xf32>
      %select_n3A_104 = arith.select %eq3A_99, %broadcast_in_dim3A_102, %broadcast_in_dim3A_103 : vector<1024x64xi1>, vector<1024x64xf32>
      %convert_element_type3A_105 = arith.truncf %select_n3A_104 : vector<1024x64xf32> to vector<1024x64xbf16>
      %swap3A_106 = arith.constant 0 : index
      %swap3A_107 = arith.constant 64 : index
      %swap3A_108 = vector.load %arg10[%swap3A_106, %swap3A_107] : memref<1024x128xbf16, #tpu.memory_space<vmem>>, vector<1024x64xbf16>
      tpu.vector_store %arg10[%swap3A_106, %swap3A_107], %convert_element_type3A_105 {strides = array<i32>} : memref<1024x128xbf16, #tpu.memory_space<vmem>>, vector<1024x64xbf16>,
      %iota3A_109 = tpu.iota {dimensions = array<i32: 1>} : vector<2048x64xi32>
      %eq3A_110 = arith.constant 0 : i32
      %eq3A_111 = vector.broadcast %eq3A_110 : i32 to vector<2048x64xi32>
      %eq3A_112 = arith.cmpi eq, %iota3A_109, %eq3A_111 : vector<2048x64xi32>
      %jit3A_113 = arith.constant 1.000000e+00 : f32
      %jit3A_114 = arith.constant 0.000000e+00 : f32
      %broadcast_in_dim3A_115 = vector.broadcast %jit3A_113 : f32 to vector<2048x64xf32>
      %broadcast_in_dim3A_116 = vector.broadcast %jit3A_114 : f32 to vector<2048x64xf32>
      %select_n3A_117 = arith.select %eq3A_112, %broadcast_in_dim3A_115, %broadcast_in_dim3A_116 : vector<2048x64xi1>, vector<2048x64xf32>
      %convert_element_type3A_118 = arith.truncf %select_n3A_117 : vector<2048x64xf32> to vector<2048x64xbf16>
      %swap3A_119 = arith.constant 0 : index
      %swap3A_120 = arith.constant 64 : index
      %swap3A_121 = vector.load %arg9[%swap3A_119, %swap3A_120] : memref<2048x128xbf16, #tpu.memory_space<vmem>>, vector<2048x64xbf16>
      tpu.vector_store %arg9[%swap3A_119, %swap3A_120], %convert_element_type3A_118 {strides = array<i32>} : memref<2048x128xbf16, #tpu.memory_space<vmem>>, vector<2048x64xbf16>,
      %iota3A_122 = tpu.iota {dimensions = array<i32: 1>} : vector<2048x1024xi32>
      %swap3A_123 = arith.constant 0 : index
      %swap3A_124 = arith.constant 0 : index
      %swap3A_125 = vector.load %arg11[%swap3A_123, %swap3A_124] : memref<2048x1024xi32, #tpu.memory_space<vmem>>, vector<2048x1024xi32>
      tpu.vector_store %arg11[%swap3A_123, %swap3A_124], %iota3A_122 {strides = array<i32>} : memref<2048x1024xi32, #tpu.memory_space<vmem>>, vector<2048x1024xi32>,
    } else {
    }
    %get3A = arith.constant 0 : index
    %get3A_2 = arith.constant 0 : index
    %get3A_3 = vector.load %arg1[%get3A, %get3A_2] : memref<2048x64xf32, #tpu.memory_space<vmem>>, vector<2048x64xf32>
    %get3A_4 = arith.constant 0 : index
    %get3A_5 = arith.constant 0 : index
    %get3A_6 = vector.load %arg2[%get3A_4, %get3A_5] : memref<2048x1xi32, #tpu.memory_space<vmem>>, vector<2048x1xi32>
    %convert_element_type3A_7 = arith.truncf %get3A_3 : vector<2048x64xf32> to vector<2048x64xbf16>
    %swap3A = arith.constant 0 : index
    %swap3A_8 = arith.constant 0 : index
    %swap3A_9 = vector.load %arg9[%swap3A, %swap3A_8] : memref<2048x128xbf16, #tpu.memory_space<vmem>>, vector<2048x64xbf16>
    tpu.vector_store %arg9[%swap3A, %swap3A_8], %convert_element_type3A_7 {strides = array<i32>} : memref<2048x128xbf16, #tpu.memory_space<vmem>>, vector<2048x64xbf16>,
    %get3A_10 = arith.constant 0 : index
    %get3A_11 = arith.constant 0 : index
    %get3A_12 = vector.load %arg9[%get3A_10, %get3A_11] : memref<2048x128xbf16, #tpu.memory_space<vmem>>, vector<2048x128xbf16>
    %get3A_13 = arith.constant 0 : index
    %get3A_14 = arith.constant 0 : index
    %get3A_15 = vector.load %arg10[%get3A_13, %get3A_14] : memref<1024x128xbf16, #tpu.memory_space<vmem>>, vector<1024x128xbf16>
    %dot_general3A = arith.constant dense<0.000000e+00> : vector<2048x1024xf32>
    %dot_general3A_16 = tpu.matmul %get3A_12, %get3A_15, %dot_general3A {dimension_numbers = #tpu.dot_dimension_numbers<[1], [1], [0], [0], [0, 0, 1, 0], [], []>, transpose_lhs_hint = false} : vector<2048x128xbf16>, vector<1024x128xbf16>, vector<2048x1024xf32> -> vector<2048x1024xf32>
    %bitcast_convert_type3A = tpu.bitcast %dot_general3A_16 : vector<2048x1024xf32> -> vector<2048x1024xi32>
    %and3A = arith.constant -1024 : i32
    %and3A_17 = vector.broadcast %and3A : i32 to vector<2048x1024xi32>
    %and3A_18 = arith.andi %bitcast_convert_type3A, %and3A_17 : vector<2048x1024xi32>
    %get3A_19 = arith.constant 0 : index
    %get3A_20 = arith.constant 0 : index
    %get3A_21 = vector.load %arg11[%get3A_19, %get3A_20] : memref<2048x1024xi32, #tpu.memory_space<vmem>>, vector<2048x1024xi32>
    %or3A = arith.ori %and3A_18, %get3A_21 : vector<2048x1024xi32>
    %bitcast_convert_type3A_22 = tpu.bitcast %or3A : vector<2048x1024xi32> -> vector<2048x1024xf32>
    %reduce_min3A = arith.constant dense<0x7F800000> : vector<2048xf32>
    %reduce_min3A_23 = vector.multi_reduction <minimumf>, %bitcast_convert_type3A_22, %reduce_min3A [1] : vector<2048x1024xf32> to vector<2048xf32>
    %broadcast_in_dim3A = vector.shape_cast %reduce_min3A_23 : vector<2048xf32> to vector<2048x1xf32>
    %bitcast_convert_type3A_24 = tpu.bitcast %broadcast_in_dim3A : vector<2048x1xf32> -> vector<2048x1xi32>
    %and3A_25 = arith.constant 1023 : i32
    %and3A_26 = vector.broadcast %and3A_25 : i32 to vector<2048x1xi32>
    %and3A_27 = arith.andi %bitcast_convert_type3A_24, %and3A_26 : vector<2048x1xi32>
    %and3A_28 = arith.constant -1024 : i32
    %and3A_29 = vector.broadcast %and3A_28 : i32 to vector<2048x1xi32>
    %and3A_30 = arith.andi %bitcast_convert_type3A_24, %and3A_29 : vector<2048x1xi32>
    %bitcast_convert_type3A_31 = tpu.bitcast %and3A_30 : vector<2048x1xi32> -> vector<2048x1xf32>
    %ne3A = arith.cmpi ne, %and3A_27, %get3A_6 : vector<2048x1xi32>
    %convert_element_type3A_32 = arith.extui %ne3A : vector<2048x1xi1> to vector<2048x1xi32>
    %convert_element_type3A_33 = arith.sitofp %convert_element_type3A_32 : vector<2048x1xi32> to vector<2048x1xf32>
    %mul3A = arith.mulf %get3A_3, %get3A_3 : vector<2048x64xf32>
    %reduce_sum3A = arith.constant dense<0.000000e+00> : vector<2048xf32>
    %reduce_sum3A_34 = vector.multi_reduction <add>, %mul3A, %reduce_sum3A [1] : vector<2048x64xf32> to vector<2048xf32>
    %broadcast_in_dim3A_35 = vector.shape_cast %reduce_sum3A_34 : vector<2048xf32> to vector<2048x1xf32>
    %get3A_36 = arith.constant 0 : index
    %get3A_37 = memref.load %arg7[%get3A_36] : memref<2xf32, #tpu.memory_space<smem>>
    %add3A = arith.addf %broadcast_in_dim3A_35, %bitcast_convert_type3A_31 : vector<2048x1xf32>
    %mul3A_38 = arith.mulf %convert_element_type3A_33, %add3A : vector<2048x1xf32>
    %reduce_sum3A_39 = vector.shape_cast %mul3A_38 : vector<2048x1xf32> to vector<1x2048x1xf32>
    %reduce_sum3A_40 = arith.constant dense<0.000000e+00> : vector<1xf32>
    %reduce_sum3A_41 = vector.multi_reduction <add>, %reduce_sum3A_39, %reduce_sum3A_40 [1, 2] : vector<1x2048x1xf32> to vector<1xf32>
    %reduce_sum3A_42 = vector.shape_cast %reduce_sum3A_41 : vector<1xf32> to vector<1x1x1xf32>
    %reduce_sum3A_43 = vector.extract %reduce_sum3A_42[0, 0, 0] : f32 from vector<1x1x1xf32>
    %add3A_44 = arith.addf %get3A_37, %reduce_sum3A_43 : f32
    %swap3A_45 = arith.constant 0 : index
    %swap3A_46 = memref.load %arg7[%swap3A_45] : memref<2xf32, #tpu.memory_space<smem>>
    memref.store %add3A_44, %arg7[%swap3A_45] : memref<2xf32, #tpu.memory_space<smem>>
    %get3A_47 = arith.constant 0 : index
    %get3A_48 = arith.constant 0 : index
    %get3A_49 = vector.load %arg11[%get3A_47, %get3A_48] : memref<2048x1024xi32, #tpu.memory_space<vmem>>, vector<2048x1024xi32>
    %eq3A_50 = vector.broadcast %get3A_6 : vector<2048x1xi32> to vector<2048x1024xi32>
    %eq3A_51 = arith.cmpi eq, %get3A_49, %eq3A_50 : vector<2048x1024xi32>
    %jit3A = arith.constant 1.000000e+00 : f32
    %jit3A_52 = arith.constant 0.000000e+00 : f32
    %broadcast_in_dim3A_53 = vector.broadcast %jit3A : f32 to vector<2048x1024xf32>
    %broadcast_in_dim3A_54 = vector.broadcast %jit3A_52 : f32 to vector<2048x1024xf32>
    %select_n3A = arith.select %eq3A_51, %broadcast_in_dim3A_53, %broadcast_in_dim3A_54 : vector<2048x1024xi1>, vector<2048x1024xf32>
    %swap3A_55 = arith.constant 0 : index
    %swap3A_56 = arith.constant 0 : index
    %swap3A_57 = vector.load %arg6[%swap3A_55, %swap3A_56] : memref<2048x1024xf32, #tpu.memory_space<vmem>>, vector<2048x1024xf32>
    tpu.vector_store %arg6[%swap3A_55, %swap3A_56], %select_n3A {strides = array<i32>} : memref<2048x1024xf32, #tpu.memory_space<vmem>>, vector<2048x1024xf32>,
    %convert_element_type3A_58 = arith.truncf %select_n3A : vector<2048x1024xf32> to vector<2048x1024xbf16>
    %broadcast_in_dim3A_59 = arith.constant 1.000000e+00 : bf16
    %broadcast_in_dim3A_60 = vector.broadcast %broadcast_in_dim3A_59 : bf16 to vector<1x2048xbf16>
    %get3A_61 = arith.constant 0 : index
    %get3A_62 = arith.constant 0 : index
    %get3A_63 = vector.load %arg8[%get3A_61, %get3A_62] : memref<1x1024xf32, #tpu.memory_space<vmem>>, vector<1x1024xf32>
    %dot_general3A_64 = arith.constant dense<0.000000e+00> : vector<1x1024xf32>
    %dot_general3A_65 = tpu.matmul %broadcast_in_dim3A_60, %convert_element_type3A_58, %dot_general3A_64 {dimension_numbers = #tpu.dot_dimension_numbers<[1], [0], [0], [1], [0, 0, 1, 1], [], []>, transpose_lhs_hint = false} : vector<1x2048xbf16>, vector<2048x1024xbf16>, vector<1x1024xf32> -> vector<1x1024xf32>
    %add3A_66 = arith.addf %get3A_63, %dot_general3A_65 : vector<1x1024xf32>
    %swap3A_67 = arith.constant 0 : index
    %swap3A_68 = arith.constant 0 : index
    %swap3A_69 = vector.load %arg8[%swap3A_67, %swap3A_68] : memref<1x1024xf32, #tpu.memory_space<vmem>>, vector<1x1024xf32>
    tpu.vector_store %arg8[%swap3A_67, %swap3A_68], %add3A_66 {strides = array<i32>} : memref<1x1024xf32, #tpu.memory_space<vmem>>, vector<1x1024xf32>,
    %eq3A_70 = arith.constant 7 : i32
    %eq3A_71 = arith.cmpi eq, %arg0, %eq3A_70 : i32
    %convert_element_type3A_72 = arith.extui %eq3A_71 : i1 to i32
    %cond3A_73 = arith.constant 0 : i32
    %cond3A_74 = arith.cmpi ne, %convert_element_type3A_72, %cond3A_73 : i32
    scf.if %cond3A_74 {
      %get3A_75 = arith.constant 0 : index
      %get3A_76 = memref.load %arg7[%get3A_75] : memref<2xf32, #tpu.memory_space<smem>>
      %broadcast_in_dim3A_77 = vector.broadcast %get3A_76 : f32 to vector<8x128xf32>
      %swap3A_78 = arith.constant 0 : index
      %swap3A_79 = arith.constant 0 : index
      %swap3A_80 = vector.load %arg4[%swap3A_78, %swap3A_79] : memref<8x128xf32, #tpu.memory_space<vmem>>, vector<8x128xf32>
      tpu.vector_store %arg4[%swap3A_78, %swap3A_79], %broadcast_in_dim3A_77 {strides = array<i32>} : memref<8x128xf32, #tpu.memory_space<vmem>>, vector<8x128xf32>,
      %get3A_81 = arith.constant 0 : index
      %get3A_82 = arith.constant 0 : index
      %get3A_83 = vector.load %arg8[%get3A_81, %get3A_82] : memref<1x1024xf32, #tpu.memory_space<vmem>>, vector<1x1024xf32>
      %swap3A_84 = arith.constant 0 : index
      %swap3A_85 = arith.constant 0 : index
      %swap3A_86 = vector.load %arg5[%swap3A_84, %swap3A_85] : memref<1x1024xf32, #tpu.memory_space<vmem>>, vector<1x1024xf32>
      tpu.vector_store %arg5[%swap3A_84, %swap3A_85], %get3A_83 {strides = array<i32>} : memref<1x1024xf32, #tpu.memory_space<vmem>>, vector<1x1024xf32>,
    } else {
    }
    return
  }
  func.func @transform_0(%arg0: i32) -> (i32, i32) {
    %c0_i32 = arith.constant 0 : i32
    %c0_i32_0 = arith.constant 0 : i32
    return %arg0, %c0_i32 : i32, i32
  }
  func.func @transform_1(%arg0: i32) -> (i32, i32) {
    %c0_i32 = arith.constant 0 : i32
    %c0_i32_0 = arith.constant 0 : i32
    return %arg0, %c0_i32 : i32, i32
  }
  func.func @transform_2(%arg0: i32) -> (i32, i32) {
    %c0_i32 = arith.constant 0 : i32
    %c0_i32_0 = arith.constant 0 : i32
    %c0_i32_1 = arith.constant 0 : i32
    return %c0_i32, %c0_i32_0 : i32, i32
  }
  func.func @transform_3(%arg0: i32) -> (i32, i32) {
    %c0_i32 = arith.constant 0 : i32
    %c0_i32_0 = arith.constant 0 : i32
    %c0_i32_1 = arith.constant 0 : i32
    return %c0_i32, %c0_i32_0 : i32, i32
  }
  func.func @transform_4(%arg0: i32) -> (i32, i32) {
    %c0_i32 = arith.constant 0 : i32
    %c0_i32_0 = arith.constant 0 : i32
    %c0_i32_1 = arith.constant 0 : i32
    return %c0_i32, %c0_i32_0 : i32, i32
  }
  func.func @transform_5(%arg0: i32) -> (i32, i32) {
    %c0_i32 = arith.constant 0 : i32
    %c0_i32_0 = arith.constant 0 : i32
    return %arg0, %c0_i32 : i32, i32
  }
}

module attributes {stable_mosaic.version = 14 : i64} {
  func.func @_fin_body(%arg0: memref<8x128xf32, #tpu.memory_space<vmem>>, %arg1: memref<32x16xf32, #tpu.memory_space<vmem>>, %arg2: memref<1x1024xf32, #tpu.memory_space<vmem>>, %arg3: memref<8x128xf32, #tpu.memory_space<vmem>>, %arg4: memref<8x128xf32, #tpu.memory_space<vmem>>) attributes {dimension_semantics = [], scalar_prefetch = 0 : i64, scratch_operands = 0 : i64, tpu.core_type = #tpu.core_type<tc>} {
    %get3A = arith.constant 0 : index
    %get3A_0 = arith.constant 0 : index
    %get3A_1 = vector.load %arg1[%get3A, %get3A_0] : memref<32x16xf32, #tpu.memory_space<vmem>>, vector<32x16xf32>
    %reduce_sum3A = vector.shape_cast %get3A_1 : vector<32x16xf32> to vector<1x32x16xf32>
    %reduce_sum3A_2 = arith.constant dense<0.000000e+00> : vector<1xf32>
    %reduce_sum3A_3 = vector.multi_reduction <add>, %reduce_sum3A, %reduce_sum3A_2 [1, 2] : vector<1x32x16xf32> to vector<1xf32>
    %reduce_sum3A_4 = vector.shape_cast %reduce_sum3A_3 : vector<1xf32> to vector<1x1x1xf32>
    %reduce_sum3A_5 = vector.extract %reduce_sum3A_4[0, 0, 0] : f32 from vector<1x1x1xf32>
    %get3A_6 = arith.constant 0 : index
    %get3A_7 = arith.constant 0 : index
    %get3A_8 = vector.load %arg0[%get3A_6, %get3A_7] : memref<8x128xf32, #tpu.memory_space<vmem>>, vector<8x128xf32>
    %reduce_max3A = vector.shape_cast %get3A_8 : vector<8x128xf32> to vector<1x8x128xf32>
    %reduce_max3A_9 = arith.constant dense<0xFF800000> : vector<1xf32>
    %reduce_max3A_10 = vector.multi_reduction <maximumf>, %reduce_max3A, %reduce_max3A_9 [1, 2] : vector<1x8x128xf32> to vector<1xf32>
    %reduce_max3A_11 = vector.shape_cast %reduce_max3A_10 : vector<1xf32> to vector<1x1x1xf32>
    %reduce_max3A_12 = vector.extract %reduce_max3A_11[0, 0, 0] : f32 from vector<1x1x1xf32>
    %mul3A = arith.constant 1.250000e+00 : f32
    %mul3A_13 = arith.mulf %mul3A, %reduce_sum3A_5 : f32
    %mul3A_14 = arith.constant 1.100000e+00 : f32
    %mul3A_15 = arith.mulf %mul3A_14, %reduce_max3A_12 : f32
    %sub3A = arith.subf %mul3A_13, %mul3A_15 : f32
    %div3A = arith.constant 0x49800000 : f32
    %div3A_16 = arith.divf %sub3A, %div3A : f32
    %broadcast_in_dim3A = vector.broadcast %div3A_16 : f32 to vector<8x128xf32>
    %swap3A = arith.constant 0 : index
    %swap3A_17 = arith.constant 0 : index
    %swap3A_18 = vector.load %arg3[%swap3A, %swap3A_17] : memref<8x128xf32, #tpu.memory_space<vmem>>, vector<8x128xf32>
    tpu.vector_store %arg3[%swap3A, %swap3A_17], %broadcast_in_dim3A {strides = array<i32>} : memref<8x128xf32, #tpu.memory_space<vmem>>, vector<8x128xf32>,
    %get3A_19 = arith.constant 0 : index
    %get3A_20 = arith.constant 0 : index
    %get3A_21 = vector.load %arg2[%get3A_19, %get3A_20] : memref<1x1024xf32, #tpu.memory_space<vmem>>, vector<1x1024xf32>
    %div3A_22 = arith.constant 1.638400e+04 : f32
    %div3A_23 = vector.broadcast %div3A_22 : f32 to vector<1x1024xf32>
    %div3A_24 = arith.divf %get3A_21, %div3A_23 : vector<1x1024xf32>
    %add3A = arith.constant 1.000000e-10 : f32
    %add3A_25 = vector.broadcast %add3A : f32 to vector<1x1024xf32>
    %add3A_26 = arith.addf %div3A_24, %add3A_25 : vector<1x1024xf32>
    %log3A = math.log %add3A_26 : vector<1x1024xf32>
    %mul3A_27 = arith.mulf %div3A_24, %log3A : vector<1x1024xf32>
    %reduce_sum3A_28 = vector.shape_cast %mul3A_27 : vector<1x1024xf32> to vector<1x1x1024xf32>
    %reduce_sum3A_29 = arith.constant dense<0.000000e+00> : vector<1xf32>
    %reduce_sum3A_30 = vector.multi_reduction <add>, %reduce_sum3A_28, %reduce_sum3A_29 [1, 2] : vector<1x1x1024xf32> to vector<1xf32>
    %reduce_sum3A_31 = vector.shape_cast %reduce_sum3A_30 : vector<1xf32> to vector<1x1x1xf32>
    %reduce_sum3A_32 = vector.extract %reduce_sum3A_31[0, 0, 0] : f32 from vector<1x1x1xf32>
    %neg3A = arith.constant 0.000000e+00 : f32
    %neg3A_33 = arith.subf %neg3A, %reduce_sum3A_32 : f32
    %exp3A = math.exp %neg3A_33 : f32
    %broadcast_in_dim3A_34 = vector.broadcast %exp3A : f32 to vector<8x128xf32>
    %swap3A_35 = arith.constant 0 : index
    %swap3A_36 = arith.constant 0 : index
    %swap3A_37 = vector.load %arg4[%swap3A_35, %swap3A_36] : memref<8x128xf32, #tpu.memory_space<vmem>>, vector<8x128xf32>
    tpu.vector_store %arg4[%swap3A_35, %swap3A_36], %broadcast_in_dim3A_34 {strides = array<i32>} : memref<8x128xf32, #tpu.memory_space<vmem>>, vector<8x128xf32>,
    return
  }
}

</mosaic_0001>

<sc_bundles>
// kernel: kernel.5.cloned.1.call-start
scs
__scs_entry_jumppad:
0x0: {  	(pc) =	sbr.rel $0x88, $3  }
0x1: {  	(tag) =	ssettag $0x0;
	lr =	simm.s32 $0x1  }
0x2: {  	[smem:$0x3F9E] =	sst lr;
	_ =	strace $0xD0000000  }
0x3: {  	_ = 	snop  }
0x4: {  	_ = 	snop  }
0x5: {  	_ = 	snop  }
0x6: {  	_ = 	snop  }
0x7: {  	_ = 	snop  }
__scs_overlays_trampoline_lowered:
0x8: {  	[smem:$0x3FAD] =	sst s0  }
0x9: {  	[smem:$0x3FAE] =	sst s1  }
0xa: {  	[smem:$0x3FAF] =	sst s2  }
0xb: {  	[smem:$0x3FB0] =	sst s3  }
0xc: {  	[smem:$0x3FB1] =	sst s4  }
0xd: {  	[smem:$0x3FB2] =	sst s5  }
0xe: {  	[smem:$0x3FB3] =	sst s6  }
0xf: {  	[smem:$0x3FB4] =	sst s7  }
0x10: {  	[smem:$0x3FB5] =	sst s8  }
0x11: {  	[smem:$0x3FB6] =	sst s9;
	s0 =	simm.s32 @!p0 $0x0  }
0x12: {  	s1 =	sld [smem:$0x3F9C];
	s0 =	simm.s32 @p0 $0x1  }
0x13: {  	[smem:$0x3FB7] =	sst s0;
	s0 =	simm.s32 @!p1 $0x0  }
0x14: {  	s2 =	sld [smem:$0x3F9B];
	s0 =	simm.s32 @p1 $0x1  }
0x15: {  	[smem:$0x3FB8] =	sst s0;
	s0 =	simm.s32 @!p2 $0x0  }
0x16: {  	s3 =	sld [smem:$0x3FDB];
	s0 =	simm.s32 @p2 $0x1  }
0x17: {  	s4 =	simm.s32 $0x1BF5;
	[smem:$0x3FBA] =	sst s0  }
0x18: {  	s0 =	sld [smem:$0x3F9D];
	_ =	swait.ge [sflag:s4], $0x0  }
0x19: {  	s7 =	sld [smem:$0x3F9E]  }
0x1a: {  	s8 =	sadd.s32 $0xFFFFE003, lr  }
0x1b: {  	s9 =	sadd.s32 $0xFFFFFEF7, lr;
	s5 =	simm.s32 $0xFFFFFFFF;
	p2 =	slt.u32 s8, $0xFFFFF086  }
0x1c: {  	p1 =	slt.u32 s9, $0xF7A;
	s5 =	simm.s32 @!p2 $0x0  }
0x1d: {  	s5 =	simm.s32 @p1 $0x1;
	p0 =	seq.s32 s7, s2  }
0x1e: {  	s7 =	smul.u32 @!p0 $0xF7A, s2;
	p2 =	seq.s32 @!p0 s5, $0x0  }
0x1f: {  	s9 =	smul.u32 $0xF7A, s1;
	s8 =	simm.s32 @!p0 $0x1BF5;
	p2 =	por !p2, p0  }
0x20: {  	[sflag:s8] =	ssyncset.s32 @!p0 $0xFFFFF086;
	s6 =	sadd.s32 @!p0 s3, s7;
	s7 =	simm.s32 @!p0 $0x108  }
0x21: {  	s3 =	sadd.s32 s3, s9;
	s6 =	sadd.s32 @!p0 $0x88, s6;
	s7 =	simm.s32 @p2 $0x1082  }
0x22: {  	[simem:s7], [sflag:s8] =	dma.local @!p0 [hbm:s6], $0xF7A  }
0x23: {  	s9 =	sor.u32 $0xD0000000, s2;
	s6 =	simm.s32 $0x108;
	_ =	swait.ge @!p0 [sflag:s8], $0x0  }
0x24: {  	s3 =	sadd.s32 $0x88, s3;
	s6 =	simm.s32 @!p1 $0x1082;
	[sflag:s4] =	ssyncset.s32 $0xFFFFF086  }
0x25: {  	[simem:s6], [sflag:s4] =	dma.local [hbm:s3], $0xF7A  }
0x26: {  	[smem:$0x3F9E] =	sst s1;
	(tag) =	ssettag s2;
	_ =	strace s9  }
0x27: {  	s1 =	sld [smem:$0x3FAE]  }
0x28: {  	s2 =	sld [smem:$0x3FAF]  }
0x29: {  	s4 =	sld [smem:$0x3FB1]  }
0x2a: {  	p0 =	seq.s32 s5, $0x0;
	s5 =	sld [smem:$0x3FB2]  }
0x2b: {  	s6 =	sld [smem:$0x3FB3]  }
0x2c: {  	s7 =	sld [smem:$0x3FB4]  }
0x2d: {  	s3 =	simm.s32 $0x108;
	s8 =	sld [smem:$0x3FB5]  }
0x2e: {  	s3 =	simm.s32 @!p0 $0x1082;
	s9 =	sld [smem:$0x3FB6]  }
0x2f: {  	lr =	sadd.s32 s0, s3;
	s0 =	sld [smem:$0x3FAD]  }
0x30: {  	s3 =	sld [smem:$0x3FB0]  }
0x31: {  	[smem:$0x3FB9] =	sst s10  }
0x32: {  	s10 =	sld [smem:$0x3FB7];
	_ =	sdelay $0x3  }
0x33: {  	p0 =	seq.s32 s10, $0x1;
	s10 =	sld [smem:$0x3FB9];
	_ =	sdelay $0x3  }
0x34: {  	[smem:$0x3FB9] =	sst s10  }
0x35: {  	s10 =	sld [smem:$0x3FB8];
	_ =	sdelay $0x3  }
0x36: {  	p1 =	seq.s32 s10, $0x1;
	s10 =	sld [smem:$0x3FB9];
	_ =	sdelay $0x3  }
0x37: {  	[smem:$0x3FB9] =	sst s10  }
0x38: {  	s10 =	sld [smem:$0x3FBA]  }
0x39: {  	_ = 	snop;
	(pc) =	sbr.ind lr, $3  }
0x3a: {  	_ = 	snop  }
0x3b: {  	_ = 	snop  }
0x3c: {  	p2 =	seq.s32 s10, $0x1;
	s10 =	sld [smem:$0x3FB9]  }
0x3d: {  	_ =	shalt  }
0x3e: {  	_ =	shalt  }
0x3f: {  	_ =	shalt  }
0x40: {  	_ =	shalt  }
0x41: {  	_ =	shalt  }
0x42: {  	_ =	shalt  }
0x43: {  	_ =	shalt  }
0x44: {  	_ =	shalt  }
0x45: {  	_ =	shalt  }
0x46: {  	_ =	shalt  }
0x47: {  	_ =	shalt  }
0x48: {  	_ =	shalt  }
0x49: {  	_ =	shalt  }
0x4a: {  	_ =	shalt  }
0x4b: {  	_ =	shalt  }
0x4c: {  	_ =	shalt  }
0x4d: {  	_ =	shalt  }
0x4e: {  	_ =	shalt  }
0x4f: {  	_ =	shalt  }
0x50: {  	_ =	shalt  }
0x51: {  	_ =	shalt  }
0x52: {  	_ =	shalt  }
0x53: {  	_ =	shalt  }
0x54: {  	_ =	shalt  }
0x55: {  	_ =	shalt  }
0x56: {  	_ =	shalt  }
0x57: {  	_ =	shalt  }
0x58: {  	_ =	shalt  }
0x59: {  	_ =	shalt  }
0x5a: {  	_ =	shalt  }
0x5b: {  	_ =	shalt  }
0x5c: {  	_ =	shalt  }
0x5d: {  	_ =	shalt  }
0x5e: {  	_ =	shalt  }
0x5f: {  	_ =	shalt  }
0x60: {  	_ =	shalt  }
0x61: {  	_ =	shalt  }
0x62: {  	_ =	shalt  }
0x63: {  	_ =	shalt  }
0x64: {  	_ =	shalt  }
0x65: {  	_ =	shalt  }
0x66: {  	_ =	shalt  }
0x67: {  	_ =	shalt  }
0x68: {  	_ =	shalt  }
0x69: {  	_ =	shalt  }
0x6a: {  	_ =	shalt  }
0x6b: {  	_ =	shalt  }
0x6c: {  	_ =	shalt  }
0x6d: {  	_ =	shalt  }
0x6e: {  	_ =	shalt  }
0x6f: {  	_ =	shalt  }
0x70: {  	_ =	shalt  }
0x71: {  	_ =	shalt  }
0x72: {  	_ =	shalt  }
0x73: {  	_ =	shalt  }
0x74: {  	_ =	shalt  }
0x75: {  	_ =	shalt  }
0x76: {  	_ =	shalt  }
0x77: {  	_ =	shalt  }
0x78: {  	_ =	shalt  }
0x79: {  	_ =	shalt  }
0x7a: {  	_ =	shalt  }
0x7b: {  	_ =	shalt  }
0x7c: {  	_ =	shalt  }
0x7d: {  	_ =	shalt  }
0x7e: {  	_ =	shalt  }
0x7f: {  	_ =	shalt  }
0x80: {  	_ =	shalt  }
0x81: {  	_ =	shalt  }
0x82: {  	_ =	shalt  }
0x83: {  	_ =	shalt  }
0x84: {  	_ =	shalt  }
0x85: {  	_ =	shalt  }
0x86: {  	_ =	shalt  }
0x87: {  	_ =	shalt  }
.Lfunc_end0:
.L_simem_size_0:
called_computation_lowered:
.L_overlay_start_0:
0x88: {  	s2 =	sld [smem:$0x3FD9]  }
0x89: {  	s3 =	sld [smem:$0x3FFE];
	_ =	sdelay $0x1  }
0x8a: {  	s1 =	srdreg.scid  }
0x8b: {  	s0 =	sand.u32 $0x1, s1  }
0x8c: {  	s14 =	sshll.u32 s0, $0xA;
	s2 =	sadd.s32 s3, s2  }
0x8d: {  	s2 =	sadd.s32 s2, s14  }
0x8e: {  	[smem:$0x3FC5] =	sst s2  }
0x8f: {  	_ = 	snop  }
0x90: {  	s2 =	sld [smem:$0x3FD0];
	_ =	sdelay $0x2  }
0x91: {  	s4 =	simm.s32 $0xA;
	s5 =	simm.s32 $0x10;
	s15 =	sld [smem:$0x3FC8]  }
0x92: {  	[smem:s5], [sflag:s4] =	dma.local [hbm:s2], $0x1  }
0x93: {  	_ =	swait.eq [sflag:s4], $0x1  }
0x94: {  	[sflag:s4] =	ssyncset.done $0x0  }
0x95: {  	[sflag:s4] =	ssyncadd.s32 $0xFFFFFFFF  }
0x96: {  	s16 =	sld [smem:$0x11];
	(tm) =	ssettm $0x1  }
0x97: {  	s17 =	sld [smem:$0x3FFB];
	_ =	sdelay $0x3  }
0x98: {  	_ =	strace s17  }
0x99: {  	s4 =	sld [smem:$0x3FFC];
	_ =	sdelay $0x3  }
0x9a: {  	_ =	strace s4  }
0x9b: {  	s4 =	sld [smem:$0x3FFD];
	_ =	sdelay $0x3  }
0x9c: {  	_ =	strace s4  }
0x9d: {  	_ =	strace $0x8FFFFFFF  }
0x9e: {  	s18 =	sld [smem:$0x3FDB];
	_ =	sdelay $0x1  }
0x9f: {  	s19 =	simm.s32 $_scs_section_size  }
0xa0: {  	s6 =	simm.s32 $_size__tile_overlayer_lowered;
	s7 =	simm.s32 $_tile_overlayer_lowered  }
0xa1: {  	s22 =	simm.s32 $0x1BFF;
	s21 =	sshll.u32 s7, $0x1;
	s4 =	sadd.s32 s19, s18  }
0xa2: {  	s8 =	simm.s32 $0x0;
	s20 =	sshll.u32 s6, $0x1;
	s6 =	sadd.s32 s21, s4  }
0xa3: {  	[timem:s8], [sflag:s22] =	dma.local [hbm:s6], s20  }
0xa4: {  	_ =	swait.ge [sflag:s22], s20  }
0xa5: {  	s5 =	ssub.s32 $0x0, s20;
	[sflag:s22] =	ssyncset.done $0x0  }
0xa6: {  	[sflag:s22] =	ssyncadd.s32 s5;
	_ =	sdelay $0x1  }
0xa7: {  	s23 =	simm.s32 $0x1B8B  }
0xa8: {  	_ =	swait.ge [sflag:s23], $0x1  }
0xa9: {  	[sflag:s23] =	ssyncset.done $0x0  }
0xaa: {  	s25 =	simm.s32 $0x1B8E;
	s24 =	sld [smem:$0x3FFE];
	[sflag:s23] =	ssyncadd.s32 $0xFFFFFFFF  }
0xab: {  	s26 =	simm.s32 $execute0_lowered;
	[smem:$0x3FD2] =	sst s25  }
0xac: {  	s6 =	sshll.u32 s26, $0x1;
	_ =	strace $0x80000046;
	[dreg:$0x1] =	wrdreg $0xFFFFFFFF  }
0xad: {  	s28 =	simm.s32 $_size_execute0_lowered;
	s4 =	sadd.s32 s4, s6;
	[dreg:$0x0] =	wrdreg $0x0  }
0xae: {  	s6 =	sshll.u32 s28, $0x1;
	[dreg:$0x2] =	wrdreg s4  }
0xaf: {  	[dreg:$0x3] =	wrdreg s6  }
0xb0: {  	[dreg:$0x4] =	wrdreg $0xC0  }
0xb1: {  	_ =	task [dreg:s8], $0x5FFFF  }
0xb2: {  	[dreg:$0x1] =	wrdreg $0xFFFFFFFF  }
0xb3: {  	[dreg:$0x0] =	wrdreg $0x60  }
0xb4: {  	[dreg:$0x2] =	wrdreg s15  }
0xb5: {  	[dreg:$0x3] =	wrdreg s24  }
0xb6: {  	[dreg:$0x4] =	wrdreg s16  }
0xb7: {  	[dreg:$0x5] =	wrdreg $0x9  }
0xb8: {  	_ =	task.clear_ibuf [dreg:s8], $0x6FFFF;
	_ =	strace $0x90000046  }
0xb9: {  	s29 =	simm.s32 $0x9;
	_ =	strace $0x80000048  }
0xba: {  	_ =	swait.ge [sflag:s29], $0x1  }
0xbb: {  	[sflag:s29] =	ssyncadd.s32 $0xFFFFFFFF  }
0xbc: {  	_ =	strace $0x90000048  }
0xbd: {  	_ =	sfence  }
0xbe: {  	s30 =	sld [smem:$0x0];
	_ =	sdelay $0x2  }
0xbf: {  	s31 =	sshll.u32 s1, $0xD;
	s1 =	sshrl.u32 s1, $0x2  }
0xc0: {  	s3 =	sand.u32 $0x4000, s31;
	s1 =	sadd.s32 s1, s30  }
0xc1: {  	s0 =	sor.u32 s3, s0;
	s1 =	sshll.u32 s1, $0x11  }
0xc2: {  	s0 =	sor.u32 s1, s0  }
0xc3: {  	s0 =	sadd.s32 $0x8F2B, s0  }
0xc4: {  	[sflag:s0] =	ssyncadd.remote.s32 $0x1  }
0xc5: {  	_ =	sfence.sel $0xFFFF  }
0xc6: {  	[dreg:$0x0] =	wrdreg $0xFFFFFFFF;
	(pc) =	sbr.abs _section_cstart, $3  }
0xc7: {  	[dreg:$0x1] =	wrdreg $0xFFFFFFFF  }
0xc8: {  	_ =	task.clear_ibuf [dreg:s8], $0x2FFFF;
	_ =	strace $0x9FFFFFFF  }
0xc9: {  	(tm) =	ssettm $0x7FFFFFFF  }
tec
execute0_lowered:
.L_overlay_start_1:
0x0: {  	(tag) =	ssettag $0x1  }
0x1: {  	s4 =	rddreg [dreg:$0x0]  }
0x2: {  	s5 =	rddreg [dreg:$0x1]  }
0x3: {  	s6 =	rddreg [dreg:$0x2]  }
0x4: {  	s0 =	rddreg [dreg:$0x3];
	s3 =	srdreg.scid  }
0x5: {  	s1 =	stileid.u32;
	s2 =	simm.s32 $0x0;
	s13 =	simm.s32 $0x10200  }
0x6: {  	s14 =	simm.s32 $0x0;
	s7 =	sand.u32 $0x1, s3;
	s30 =	sshll.u32 s1, $0x1  }
0x7: {  	[smem:$0x7FF] =	sst s2;
	s3 =	sadd.s32 $0x1000, s5;
	s8 =	sor.u32 s7, s30  }
0x8: {  	_ =	strace $0x80000047;
	s7 =	ssub.s32 $0x2, s7;
	s9 =	sshll.u32 s8, $0xC  }
0x9: {  	s11 =	sshll.u32 s8, $0x1;
	s31 =	sshrl.u32 s7, $0x1;
	s8 =	sshll.u32 s8, $0x6  }
0xa: {  	s10 =	sadd.s32 s9, s5;
	s11 =	sadd.s32 s11, s5;
	s12 =	ssub.s32 s7, s31  }
0xb: {  	s4 =	sadd.s32 s4, s8;
	s6 =	sadd.s32 s6, s9;
	s9 =	simm.s32 $0x2  }
0xc: {  	s5 =	sadd.s32 $0x3200, s10;
	s7 =	sadd.s32 $0x3000, s11;
	s8 =	smax.u32 s12, $0x1  }
0xd: {  	s10 =	simm.s32 $0x200;
	s11 =	simm.s32 $0x1;
	s12 =	simm.s32 $0x8200  }
.LBB2_1:
0xe: {  	[tilespmem:s2], [sflag:$0x2] =	stream.linear.gather [hbm4b:s4+s2], $0x200, $0x38;
	[tilespmem:$0x10210] =	vst v63  }
0xf: {  	_ =	swait.ge [sflag:s9], $0x200  }
0x10: {  	[sflag:s9] =	ssyncset.done $0x0  }
0x11: {  	[sflag:s9] =	ssyncadd.s32 $0xFFFFFE00  }
0x12: {  	[tilespmem:s10], [sflag:$0x1] =	stream.indirect.gather [hbm4b:s3+s10], $0x40, s2, s10, $0xb8;
	[tilespmem:$0x10210] =	vst v63  }
0x13: {  	_ =	swait.ge [sflag:s11], $0x8000  }
0x14: {  	[sflag:s11] =	ssyncset.done $0x0  }
0x15: {  	[sflag:s11] =	ssyncadd.s32 $0xFFFF8000  }
0x16: {  	[hbm4b:s5+s2] =	stream.linear.scatter [tilespmem:s10], [sflag:$0x2], $0x8000, $0x38;
	[tilespmem:$0x10210] =	vst v63  }
0x17: {  	_ =	swait.ge [sflag:s9], $0x8000  }
0x18: {  	[sflag:s9] =	ssyncset.done $0x0  }
0x19: {  	[sflag:s9] =	ssyncadd.s32 $0xFFFF8000  }
0x1a: {  	[tilespmem:s12], [sflag:$0x2] =	stream.linear.gather [hbm4b:s6+s2], $0x8000, $0x38;
	[tilespmem:$0x10210] =	vst v63  }
0x1b: {  	_ =	swait.ge [sflag:s9], $0x8000  }
0x1c: {  	[sflag:s9] =	ssyncset.done $0x0  }
0x1d: {  	s16 =	simm.s32 $0x0;
	[sflag:s9] =	ssyncadd.s32 $0xFFFF8000  }
0x1e: {  	v0 =	vld [tilespmem:s16+$0x200]  }
0x1f: {  	v2 =	vld [tilespmem:s16+$0x8200]  }
0x20: {  	v7 =	vld [tilespmem:s16+$0x210]  }
0x21: {  	v8 =	vld [tilespmem:s16+$0x8210]  }
0x22: {  	v1 =	vld [tilespmem:s16+$0x220]  }
0x23: {  	v4 =	vld [tilespmem:s16+$0x8220]  }
0x24: {  	v3 =	vld [tilespmem:s16+$0x8230];
	v6 =	vsub.f32 v0, v2  }
0x25: {  	s15 =	simm.s32 $0x40;
	v0 =	vld [tilespmem:s16+$0x230]  }
0x26: {  	v5 =	vimm.f32 $0.0e+00;
	v2 =	vld [tilespmem:s15+$0x200];
	s16 =	simm.s32 $0x200;
	v7 =	vsub.f32 v7, v8;
	v6 =	vmul.f32 v6, v6  }
.LBB2_2:
0x27: {  	p0 =	sne.s32 s16, $0x1FF00;
	v8 =	vld [tilespmem:s15+$0x8200]  }
0x28: {  	v9 =	vld [tilespmem:s15+$0x210];
	v5 =	vadd.f32 v6, v5;
	v6 =	vmul.f32 v7, v7;
	v4 =	vsub.f32 v1, v4  }
0x29: {  	v7 =	vld [tilespmem:s15+$0x8210]  }
.Ltmp0:
0x2a: {  	v1 =	vld [tilespmem:s15+$0x220];
	v5 =	vadd.f32 v6, v5;
	v6 =	vmul.f32 v4, v4;
	v3 =	vsub.f32 v0, v3;
	(pc) =	sbr.rel @p0 .LBB2_2-.Ltmp0, $4  }
0x2b: {  	v4 =	vld [tilespmem:s15+$0x8220]  }
0x2c: {  	v8 =	vsub.f32 v2, v8;
	v0 =	vld [tilespmem:s15+$0x230];
	v5 =	vadd.f32 v6, v5;
	v10 =	vmul.f32 v3, v3  }
0x2d: {  	v3 =	vld [tilespmem:s15+$0x8230];
	s15 =	sshra.s32 s16, $0x2  }
0x2e: {  	s16 =	sadd.s32 $0x100, s16;
	v2 =	vld [tilespmem:s15+$0x200];
	v6 =	vmul.f32 v8, v8;
	v7 =	vsub.f32 v9, v7;
	v5 =	vadd.f32 v10, v5  }
0x2f: {  	v8 =	vld [tilespmem:s15+$0x8200]  }
0x30: {  	v9 =	vld [tilespmem:s15+$0x210];
	v5 =	vadd.f32 v6, v5;
	v53 =	vmul.f32 v7, v7;
	v1 =	vsub.f32 v1, v4  }
0x31: {  	v54 =	vld [tilespmem:s15+$0x8210]  }
0x32: {  	v55 =	vld [tilespmem:s15+$0x220];
	v5 =	vadd.f32 v53, v5;
	v1 =	vmul.f32 v1, v1;
	v0 =	vsub.f32 v0, v3  }
0x33: {  	v56 =	vld [tilespmem:s15+$0x8220]  }
0x34: {  	v57 =	vld [tilespmem:s15+$0x230];
	v2 =	vsub.f32 v2, v8;
	v1 =	vadd.f32 v1, v5;
	v0 =	vmul.f32 v0, v0  }
0x35: {  	v58 =	vld [tilespmem:s15+$0x8230]  }
0x36: {  	v4 =	vsub.f32 v9, v54;
	v2 =	vmul.f32 v2, v2;
	v0 =	vadd.f32 v0, v1;
	_ =	sdelay $0x1  }
0x37: {  	v60 =	vsub.f32 v55, v56;
	v59 =	vmul.f32 v4, v4;
	v0 =	vadd.f32 v2, v0;
	_ =	sdelay $0x1  }
0x38: {  	v62 =	vsub.f32 v57, v58;
	v61 =	vmul.f32 v60, v60;
	v0 =	vadd.f32 v59, v0;
	_ =	sdelay $0x1  }
0x39: {  	v63 =	vmul.f32 v62, v62;
	v0 =	vadd.f32 v61, v0;
	_ =	sdelay $0x1  }
0x3a: {  	s14 =	sadd.s32 $0x1, s14;
	v0 =	vadd.f32 v63, v0  }
0x3b: {  	p0 =	sne.s32 s14, s8  }
.Ltmp1:
0x3c: {  	[tilespmem:$0x10200] =	vst v0;
	(pc) =	sbr.rel @p0 .LBB2_1-.Ltmp1, $4  }
0x3d: {  	[hbm4b:s7+s2] =	stream.linear.scatter [tilespmem:s13], [sflag:$0x2], $0x10, $0x38;
	[tilespmem:$0x10210] =	vst v63  }
0x3e: {  	_ =	swait.ge [sflag:s9], $0x10  }
0x3f: {  	[sflag:s9] =	ssyncset.done $0x0  }
0x40: {  	[sflag:s9] =	ssyncadd.s32 $0xFFFFFFF0  }
0x41: {  	_ =	sfence.sel $0x180000  }
0x42: {  	[bflag:$0x0] =	sbarrier.arrive $0xFFFF  }
0x43: {  	p0 =	sne.s32 s1, $0x0;
	_ =	strace $0x90000047  }
0x44: {  	s0 =	sadd.s32 @!p0 $0x100000, s0;
	[bflag:$0x2] =	sbarrier.arrive $0xFFFF  }
0x45: {  	[sflag:s0] =	ssyncadd.tile.s32 @!p0 $0x1;
	_ =	shalt  }
.Lfunc_end2:
_tile_overlayer_lowered:
.L_overlay_start_2:
0x46: {  	(tag) =	ssettag $0x2  }
0x47: {  	s0 =	rddreg [dreg:$0x0];
	s2 =	stileid.u32  }
0x48: {  	s1 =	rddreg [dreg:$0x1];
	p0 =	sne.s32 s2, $0x0  }
0x49: {  	s3 =	rddreg [dreg:$0x2];
	[bflag:$0x3] =	sbarrier.arrive $0xFFFF;
	s2 =	simm.s32 @!p0 $0x1C02  }
0x4a: {  	[timem:s3], [sflag:s2] =	dma.local @!p0 [hbm:s0], s1  }
0x4b: {  	s0 =	simm.s32 @!p0 $0x2  }
0x4c: {  	_ =	swait.ge @!p0 [sflag:s0], s1  }
0x4d: {  	s1 =	ssub.s32 @!p0 $0x0, s1;
	[sflag:s0] =	ssyncset.done @!p0 $0x0  }
0x4e: {  	[sflag:s0] =	ssyncadd.s32 @!p0 s1  }
0x4f: {  	[bflag:$0x3] =	sbarrier.arrive $0xFFFF  }
0x50: {  	_ =	shalt  }

</sc_bundles>
